<compile_context>
chip_gen: v7x
topology: tpu7x:2x2x1
jax: 0.10.2.dev20260603
libtpu: 0.0.44.dev20260713+nightly
codegen_flags: <defaults>
</compile_context>

<pallas_src>
import functools

import jax
import jax.numpy as jnp
from jax import lax
from jax.experimental import pallas as pl
from jax.experimental.pallas import tpu as pltpu
from jax.experimental.pallas import tpu_sc as plsc

EPS = 1e-8
KB = 5120


def _topk_body(x_ref, t_ref, v_ref, g_ref,
               d1_ref, i0_ref, thr_ref,
               qn_ref, s_ref, rv0, ri0, rv1, *, K, NB):
    k = pl.program_id(0)
    B = x_ref.shape[0]

    @pl.when(k == 0)
    def _init():
        x = x_ref[...]
        xn = jnp.sqrt(jnp.sum(x * x, axis=1, keepdims=True))
        qn_ref[...] = x / jnp.maximum(xn, EPS)
        t = t_ref[...]
        num = jnp.sum(x * t, axis=1, keepdims=True)
        tn = jnp.sqrt(jnp.sum(t * t, axis=1, keepdims=True))
        ts = num / jnp.maximum(xn * tn, EPS)
        thr_ref[...] = g_ref[0] + jnp.sqrt(jnp.maximum(2.0 * (1.0 - ts), 0.0))
        rv0[...] = jnp.full((B, 1), -jnp.inf, jnp.float32)
        rv1[...] = jnp.full((B, 1), -jnp.inf, jnp.float32)
        ri0[...] = jnp.zeros((B, 1), jnp.int32)

    vb = v_ref[...]
    vnrm = jnp.sqrt(jnp.sum(vb * vb, axis=1, keepdims=True))
    vn = vb / jnp.maximum(vnrm, EPS)
    s_ref[...] = lax.dot_general(
        qn_ref[...], vn, (((1,), (1,)), ((), ())),
        preferred_element_type=jnp.float32)

    col = lax.broadcasted_iota(jnp.int32, (B, KB), 1).astype(jnp.float32)
    @pl.when(k == NB - 1)
    def _mask_tail():
        lim = float(K - (NB - 1) * KB)
        s_ref[...] = jnp.where(col < lim, s_ref[...], -jnp.inf)

    s = s_ref[...]
    BIGF = jnp.float32(2.0 * KB)
    m1 = jnp.max(s, axis=1, keepdims=True)
    i1 = jnp.min(jnp.where(s == m1, col, BIGF), axis=1, keepdims=True)
    m2 = jnp.max(jnp.where(col == i1, -jnp.inf, s), axis=1, keepdims=True)

    a = m1 > rv0[...]
    rv1[...] = jnp.maximum(jnp.where(a, rv0[...], rv1[...]),
                           jnp.where(a, m2, m1))
    ri0[...] = jnp.where(a, i1.astype(jnp.int32) + k * KB, ri0[...])
    rv0[...] = jnp.where(a, m1, rv0[...])

    @pl.when(k == NB - 1)
    def _fin():
        d1_ref[...] = jnp.sqrt(jnp.maximum(2.0 * (1.0 - rv1[...]), 0.0))
        i0_ref[...] = ri0[...]


def _topk_call(x, t, v, g):
    B, D = x.shape
    K = v.shape[0]
    NB = pl.cdiv(K, KB)
    out = pl.pallas_call(
        functools.partial(_topk_body, K=K, NB=NB),
        grid=(NB,),
        in_specs=[
            pl.BlockSpec((B, D), lambda k: (0, 0)),
            pl.BlockSpec((B, D), lambda k: (0, 0)),
            pl.BlockSpec((KB, D), lambda k: (k, 0)),
            pl.BlockSpec(memory_space=pltpu.SMEM),
        ],
        out_specs=[
            pl.BlockSpec((B, 1), lambda k: (0, 0)),
            pl.BlockSpec((B, 1), lambda k: (0, 0)),
            pl.BlockSpec((B, 1), lambda k: (0, 0)),
        ],
        out_shape=[
            jax.ShapeDtypeStruct((B, 1), jnp.float32),
            jax.ShapeDtypeStruct((B, 1), jnp.int32),
            jax.ShapeDtypeStruct((B, 1), jnp.float32),
        ],
        scratch_shapes=[
            pltpu.VMEM((B, D), jnp.float32),
            pltpu.VMEM((B, KB), jnp.float32),
            pltpu.VMEM((B, 1), jnp.float32),
            pltpu.VMEM((B, 1), jnp.int32),
            pltpu.VMEM((B, 1), jnp.float32),
        ],
        compiler_params=pltpu.CompilerParams(
            dimension_semantics=("arbitrary",)),
    )(x, t, v, g.reshape(1))
    return out


def _sc_gather(table, idx):
    V, D = table.shape
    B = idx.shape[0]
    info = plsc.get_sparse_core_info()
    NW = info.num_cores * info.num_subcores
    b_per_w = B // NW
    mesh = plsc.VectorSubcoreMesh(core_axis_name="c", subcore_axis_name="s")

    @functools.partial(
        pl.kernel, mesh=mesh,
        out_type=jax.ShapeDtypeStruct((B, D), jnp.float32),
        scratch_types=[
            pltpu.VMEM((b_per_w,), jnp.int32),
            pltpu.VMEM((b_per_w, D), jnp.float32),
            pltpu.SemaphoreType.DMA,
        ],
    )
    def k(table_hbm, idx_hbm, out_hbm, idx_v, rows_v, sem):
        wid = lax.axis_index("s") * info.num_cores + lax.axis_index("c")
        base = wid * b_per_w
        pltpu.sync_copy(idx_hbm.at[pl.ds(base, b_per_w)], idx_v)
        pltpu.async_copy(table_hbm.at[idx_v], rows_v, sem).wait()
        pltpu.sync_copy(rows_v, out_hbm.at[pl.ds(base, b_per_w)])

    return k(table, idx)


def _finish_body(x_ref, g_ref, t_ref, d1_ref, thr_ref, o_ref):
    B = g_ref.shape[0]
    x = x_ref[...]
    v0 = g_ref[...]
    num = jnp.sum(x * v0, axis=1, keepdims=True)
    na = jnp.sqrt(jnp.sum(x * x, axis=1, keepdims=True))
    nb = jnp.sqrt(jnp.sum(v0 * v0, axis=1, keepdims=True))
    sim = num / jnp.maximum(na * nb, EPS)
    d0 = jnp.sqrt(jnp.maximum(2.0 * (1.0 - sim), 0.0))
    eq = jnp.all(v0 == t_ref[...], axis=1, keepdims=True)
    negd = jnp.where(eq, d1_ref[...], d0)
    cost = jnp.maximum(thr_ref[...] - negd, 0.0) * 2.0
    o_ref[...] = (jnp.sum(cost) / B).reshape(1, 1)


def _finish_call(x, gathered, t, d1, thr):
    out = pl.pallas_call(
        _finish_body,
        out_shape=jax.ShapeDtypeStruct((1, 1), jnp.float32),
    )(x, gathered, t, d1, thr)
    return out[0, 0]


def kernel(input, target, veclist, gamma):
    d1, i0, thr = _topk_call(input, target, veclist,
                             jnp.asarray(gamma, jnp.float32))
    gathered = _sc_gather(veclist, i0.reshape(-1))
    return _finish_call(input, gathered, target, d1, thr)

# --- scband reference (transcript-rebuilt; emitter-appended) ---
"""Pipeline reference for scband-max-margin-loss-60868276519355 (READ-ONLY COPY).

The authoritative reference and input builder live on the scoring server;
editing this copy changes nothing except your own understanding.
"""

import jax, jax.numpy as jnp
import numpy as np

B = 1024
K = 100000
D = 128
RANK = 2
EPS = 1e-8


def setup_inputs(seed: int = 0) -> dict:
    key = jax.random.key(seed)
    k1, k2, k3 = jax.random.split(key, 3)
    veclist = jax.random.normal(k1, (K, D), dtype=jnp.float32)
    x = jax.random.normal(k2, (B, D), dtype=jnp.float32)
    # targets are drawn from the retrieval table so the 'skip the true target' branch
    # in the original loop is exercised (annoy index is built over veclist)
    tidx = jax.random.randint(k3, (B,), 0, K)
    target = veclist[tidx]
    gamma = jnp.float32(0.5)
    return {"input": x, "target": target, "veclist": veclist, "gamma": gamma}


def _cos_sim(a, b):
    # torch.nn.CosineSimilarity(dim=1): a.b / max(||a||*||b||, eps)
    num = jnp.sum(a * b, axis=-1)
    na = jnp.linalg.norm(a, axis=-1)
    nb = jnp.linalg.norm(b, axis=-1)
    return num / jnp.maximum(na * nb, EPS)


def _cos_distance(a, b):
    return jnp.sqrt(jnp.maximum(2.0 * (1.0 - _cos_sim(a, b)), 0.0))


def reference(input, target, veclist, gamma):
    gamma_vec = jnp.repeat(gamma, RANK)  # self.gamma.repeat(self.rank)
    # distance to the true target, per sample
    tg_dists = _cos_distance(input, target)  # [B]
    # annoy angular kNN == exact top-k by cosine similarity over veclist
    qn = input / jnp.maximum(jnp.linalg.norm(input, axis=-1, keepdims=True), EPS)
    vn = veclist / jnp.maximum(jnp.linalg.norm(veclist, axis=-1, keepdims=True), EPS)
    sims = qn @ vn.T  # [B, K]
    _, idx = jax.lax.top_k(sims, RANK)  # [B, 2]
    v0 = jnp.take(veclist, idx[:, 0], axis=0)  # [B, D]
    v1 = jnp.take(veclist, idx[:, 1], axis=0)  # [B, D]
    # original loop picks the first of the `rank` nearest that is NOT equal to trg
    eq0 = jnp.all(v0 == target, axis=-1)  # [B]
    chosen = jnp.where(eq0[:, None], v1, v0)  # [B, D] (vecs has rank-1 = 1 row)
    neg_dist = _cos_distance(input, chosen)  # [B]
    # sample_dist = gamma_vec (shape [2]) + dist.repeat(1) - cos_distance(...) (shape [1])
    # broadcasts to shape [2] per sample
    sample_dist = gamma_vec[None, :] + tg_dists[:, None] - neg_dist[:, None]  # [B, 2]
    sample_cost = jnp.sum(jnp.where(sample_dist > 0, sample_dist, 0.0), axis=-1)  # [B]
    cost = jnp.sum(sample_cost)
    return cost / B

if __name__ == "__main__":
    import jax
    _d = setup_inputs()
    print(jax.jit(kernel)(*tuple(_d.values())))

</pallas_src>

<mosaic_0001>
#map = affine_map<(d0, d1) -> (0, 0)>
#map1 = affine_map<(d0, d1) -> (0)>
module attributes {stable_mosaic.version = 14 : i64} {
  func.func @k(%arg0: i32, %arg1: i32, %arg2: memref<100000x128xf32, #tpu.memory_space<hbm>>, %arg3: memref<1024xi32, #tpu.memory_space<hbm>>, %arg4: memref<1024x128xf32, #tpu.memory_space<hbm>>, %arg5: memref<32xi32, #tpu.memory_space<vmem>>, %arg6: memref<32x128xf32, #tpu.memory_space<vmem>>, %arg7: memref<!tpu.dma_semaphore, #tpu.memory_space<semaphore_mem>>) attributes {dimension_semantics = [#tpu.dimension_semantics<core_parallel>, #tpu.dimension_semantics<subcore_parallel>], iteration_bounds = array<i64: 2, 16>, scalar_prefetch = 0 : i64, scratch_operands = 3 : i64, tpu.core_type = #tpu.core_type<sc_vector_subcore>, window_params = [{transform_indices = #map}, {transform_indices = #map1}, {transform_indices = #map}]} {
    %mul3A = arith.constant 2 : i32
    %mul3A_0 = arith.muli %arg1, %mul3A : i32
    %add3A = arith.addi %mul3A_0, %arg0 : i32
    %mul3A_1 = arith.constant 32 : i32
    %mul3A_2 = arith.muli %add3A, %mul3A_1 : i32
    "tpu.region"() ({
      %run_scoped3A = tpu.sem_alloc : memref<!tpu.dma_semaphore, #tpu.memory_space<semaphore_mem>>
      %dma_start3A_7 = tpu.memref_slice %arg3[%mul3A_2] : memref<1024xi32, #tpu.memory_space<hbm>> -> memref<32xi32, #tpu.memory_space<hbm>>
      %dma_start3A_8 = tpu.memref_slice %arg3[%mul3A_2] : memref<1024xi32, #tpu.memory_space<hbm>> -> memref<32xi32, #tpu.memory_space<hbm>>
      tpu.enqueue_dma source(%dma_start3A_8 : memref<32xi32, #tpu.memory_space<hbm>>) target(%arg5 : memref<32xi32, #tpu.memory_space<vmem>>) target_semaphore(%run_scoped3A : memref<!tpu.dma_semaphore, #tpu.memory_space<semaphore_mem>>)
      %dma_wait3A_9 = tpu.memref_slice %arg3[%mul3A_2] : memref<1024xi32, #tpu.memory_space<hbm>> -> memref<32xi32, #tpu.memory_space<hbm>>
      %dma_wait3A_10 = tpu.memref_slice %arg3[%mul3A_2] : memref<1024xi32, #tpu.memory_space<hbm>> -> memref<32xi32, #tpu.memory_space<hbm>>
      tpu.wait_dma2 semaphore(%run_scoped3A : memref<!tpu.dma_semaphore, #tpu.memory_space<semaphore_mem>>) src(%dma_wait3A_10 : memref<32xi32, #tpu.memory_space<hbm>>) dst(%arg5 : memref<32xi32, #tpu.memory_space<vmem>>)
      tpu.yield
    }) : () -> ()
    %dma_start3A = arith.constant 0 : i32
    %dma_start3A_3 = arith.constant 0 : i32
    %dma_start3A_4 = tpu.memref_slice %arg2[%dma_start3A, %dma_start3A_3] : memref<100000x128xf32, #tpu.memory_space<hbm>> -> memref<100000x128xf32, #tpu.memory_space<hbm>>
    tpu.enqueue_indirect_dma source(%dma_start3A_4 : memref<100000x128xf32, #tpu.memory_space<hbm>>) target(%arg6 : memref<32x128xf32, #tpu.memory_space<vmem>>) offsets(%arg5 : memref<32xi32, #tpu.memory_space<vmem>>) semaphore(%arg7 : memref<!tpu.dma_semaphore, #tpu.memory_space<semaphore_mem>>)
    %dma_wait3A = arith.constant 0 : i32
    %dma_wait3A_5 = arith.constant 0 : i32
    %dma_wait3A_6 = tpu.memref_slice %arg2[%dma_wait3A, %dma_wait3A_5] : memref<100000x128xf32, #tpu.memory_space<hbm>> -> memref<100000x128xf32, #tpu.memory_space<hbm>>
    tpu.wait_indirect_dma semaphore(%arg7 : memref<!tpu.dma_semaphore, #tpu.memory_space<semaphore_mem>>) src(%dma_wait3A_6 : memref<100000x128xf32, #tpu.memory_space<hbm>>) dst(%arg6 : memref<32x128xf32, #tpu.memory_space<vmem>>)
    "tpu.region"() ({
      %run_scoped3A = tpu.sem_alloc : memref<!tpu.dma_semaphore, #tpu.memory_space<semaphore_mem>>
      %dma_start3A_7 = arith.constant 0 : i32
      %dma_start3A_8 = tpu.memref_slice %arg4[%mul3A_2, %dma_start3A_7] : memref<1024x128xf32, #tpu.memory_space<hbm>> -> memref<32x128xf32, #tpu.memory_space<hbm>>
      %dma_start3A_9 = arith.constant 0 : i32
      %dma_start3A_10 = tpu.memref_slice %arg4[%mul3A_2, %dma_start3A_9] : memref<1024x128xf32, #tpu.memory_space<hbm>> -> memref<32x128xf32, #tpu.memory_space<hbm>>
      tpu.enqueue_dma source(%arg6 : memref<32x128xf32, #tpu.memory_space<vmem>>) target(%dma_start3A_10 : memref<32x128xf32, #tpu.memory_space<hbm>>) target_semaphore(%run_scoped3A : memref<!tpu.dma_semaphore, #tpu.memory_space<semaphore_mem>>)
      %dma_wait3A_11 = arith.constant 0 : i32
      %dma_wait3A_12 = tpu.memref_slice %arg4[%mul3A_2, %dma_wait3A_11] : memref<1024x128xf32, #tpu.memory_space<hbm>> -> memref<32x128xf32, #tpu.memory_space<hbm>>
      %dma_wait3A_13 = arith.constant 0 : i32
      %dma_wait3A_14 = tpu.memref_slice %arg4[%mul3A_2, %dma_wait3A_13] : memref<1024x128xf32, #tpu.memory_space<hbm>> -> memref<32x128xf32, #tpu.memory_space<hbm>>
      tpu.wait_dma2 semaphore(%run_scoped3A : memref<!tpu.dma_semaphore, #tpu.memory_space<semaphore_mem>>) src(%arg6 : memref<32x128xf32, #tpu.memory_space<vmem>>) dst(%dma_wait3A_14 : memref<32x128xf32, #tpu.memory_space<hbm>>)
      tpu.yield
    }) : () -> ()
    return
  }
}

module attributes {stable_mosaic.version = 14 : i64} {
  func.func @_topk_body(%arg0: i32, %arg1: memref<1024x128xf32, #tpu.memory_space<vmem>>, %arg2: memref<1024x128xf32, #tpu.memory_space<vmem>>, %arg3: memref<5120x128xf32, #tpu.memory_space<vmem>>, %arg4: memref<1xf32, #tpu.memory_space<smem>>, %arg5: memref<1024x1xf32, #tpu.memory_space<vmem>>, %arg6: memref<1024x1xi32, #tpu.memory_space<vmem>>, %arg7: memref<1024x1xf32, #tpu.memory_space<vmem>>, %arg8: memref<1024x128xf32, #tpu.memory_space<vmem>>, %arg9: memref<1024x5120xf32, #tpu.memory_space<vmem>>, %arg10: memref<1024x1xf32, #tpu.memory_space<vmem>>, %arg11: memref<1024x1xi32, #tpu.memory_space<vmem>>, %arg12: memref<1024x1xf32, #tpu.memory_space<vmem>>) attributes {dimension_semantics = [#tpu.dimension_semantics<arbitrary>], iteration_bounds = array<i64: 20>, scalar_prefetch = 0 : i64, scratch_operands = 5 : i64, tpu.core_type = #tpu.core_type<tc>, window_params = [{pipeline_mode = #tpu.pipeline_mode<synchronous>, transform_indices = @transform_0, window_bounds = array<i64: 1024, 128>}, {pipeline_mode = #tpu.pipeline_mode<synchronous>, transform_indices = @transform_1, window_bounds = array<i64: 1024, 128>}, {transform_indices = @transform_2, window_bounds = array<i64: 5120, 128>}, {transform_indices = @transform_3, window_bounds = array<i64: 1>}, {pipeline_mode = #tpu.pipeline_mode<synchronous>, transform_indices = @transform_4, window_bounds = array<i64: 1024, 1>}, {pipeline_mode = #tpu.pipeline_mode<synchronous>, transform_indices = @transform_5, window_bounds = array<i64: 1024, 1>}, {pipeline_mode = #tpu.pipeline_mode<synchronous>, transform_indices = @transform_6, window_bounds = array<i64: 1024, 1>}]} {
    %eq3A = arith.constant 0 : i32
    %eq3A_0 = arith.cmpi eq, %arg0, %eq3A : i32
    %convert_element_type3A = arith.extui %eq3A_0 : i1 to i32
    %cond3A = arith.constant 0 : i32
    %cond3A_1 = arith.cmpi ne, %convert_element_type3A, %cond3A : i32
    scf.if %cond3A_1 {
      %get3A_76 = arith.constant 0 : index
      %get3A_77 = arith.constant 0 : index
      %get3A_78 = vector.load %arg1[%get3A_76, %get3A_77] : memref<1024x128xf32, #tpu.memory_space<vmem>>, vector<1024x128xf32>
      %mul3A_79 = arith.mulf %get3A_78, %get3A_78 : vector<1024x128xf32>
      %reduce_sum3A_80 = arith.constant dense<0.000000e+00> : vector<1024xf32>
      %reduce_sum3A_81 = vector.multi_reduction <add>, %mul3A_79, %reduce_sum3A_80 [1] : vector<1024x128xf32> to vector<1024xf32>
      %broadcast_in_dim3A_82 = vector.shape_cast %reduce_sum3A_81 : vector<1024xf32> to vector<1024x1xf32>
      %sqrt3A_83 = math.sqrt %broadcast_in_dim3A_82 : vector<1024x1xf32>
      %max3A_84 = arith.constant 9.99999993E-9 : f32
      %max3A_85 = vector.broadcast %max3A_84 : f32 to vector<1024x1xf32>
      %max3A_86 = arith.maximumf %sqrt3A_83, %max3A_85 : vector<1024x1xf32>
      %div3A_87 = vector.broadcast %max3A_86 : vector<1024x1xf32> to vector<1024x128xf32>
      %div3A_88 = arith.divf %get3A_78, %div3A_87 : vector<1024x128xf32>
      %swap3A_89 = arith.constant 0 : index
      %swap3A_90 = arith.constant 0 : index
      %swap3A_91 = vector.load %arg8[%swap3A_89, %swap3A_90] : memref<1024x128xf32, #tpu.memory_space<vmem>>, vector<1024x128xf32>
      tpu.vector_store %arg8[%swap3A_89, %swap3A_90], %div3A_88 {strides = array<i32>} : memref<1024x128xf32, #tpu.memory_space<vmem>>, vector<1024x128xf32>,
      %get3A_92 = arith.constant 0 : index
      %get3A_93 = arith.constant 0 : index
      %get3A_94 = vector.load %arg2[%get3A_92, %get3A_93] : memref<1024x128xf32, #tpu.memory_space<vmem>>, vector<1024x128xf32>
      %mul3A_95 = arith.mulf %get3A_78, %get3A_94 : vector<1024x128xf32>
      %reduce_sum3A_96 = arith.constant dense<0.000000e+00> : vector<1024xf32>
      %reduce_sum3A_97 = vector.multi_reduction <add>, %mul3A_95, %reduce_sum3A_96 [1] : vector<1024x128xf32> to vector<1024xf32>
      %broadcast_in_dim3A_98 = vector.shape_cast %reduce_sum3A_97 : vector<1024xf32> to vector<1024x1xf32>
      %mul3A_99 = arith.mulf %get3A_94, %get3A_94 : vector<1024x128xf32>
      %reduce_sum3A_100 = arith.constant dense<0.000000e+00> : vector<1024xf32>
      %reduce_sum3A_101 = vector.multi_reduction <add>, %mul3A_99, %reduce_sum3A_100 [1] : vector<1024x128xf32> to vector<1024xf32>
      %broadcast_in_dim3A_102 = vector.shape_cast %reduce_sum3A_101 : vector<1024xf32> to vector<1024x1xf32>
      %sqrt3A_103 = math.sqrt %broadcast_in_dim3A_102 : vector<1024x1xf32>
      %mul3A_104 = arith.mulf %sqrt3A_83, %sqrt3A_103 : vector<1024x1xf32>
      %max3A_105 = arith.constant 9.99999993E-9 : f32
      %max3A_106 = vector.broadcast %max3A_105 : f32 to vector<1024x1xf32>
      %max3A_107 = arith.maximumf %mul3A_104, %max3A_106 : vector<1024x1xf32>
      %div3A_108 = arith.divf %broadcast_in_dim3A_98, %max3A_107 : vector<1024x1xf32>
      %get3A_109 = arith.constant 0 : index
      %get3A_110 = memref.load %arg4[%get3A_109] : memref<1xf32, #tpu.memory_space<smem>>
      %sub3A = arith.constant 1.000000e+00 : f32
      %sub3A_111 = vector.broadcast %sub3A : f32 to vector<1024x1xf32>
      %sub3A_112 = arith.subf %sub3A_111, %div3A_108 : vector<1024x1xf32>
      %mul3A_113 = arith.constant 2.000000e+00 : f32
      %mul3A_114 = vector.broadcast %mul3A_113 : f32 to vector<1024x1xf32>
      %mul3A_115 = arith.mulf %mul3A_114, %sub3A_112 : vector<1024x1xf32>
      %max3A_116 = arith.constant 0.000000e+00 : f32
      %max3A_117 = vector.broadcast %max3A_116 : f32 to vector<1024x1xf32>
      %max3A_118 = arith.maximumf %mul3A_115, %max3A_117 : vector<1024x1xf32>
      %sqrt3A_119 = math.sqrt %max3A_118 : vector<1024x1xf32>
      %add3A_120 = vector.broadcast %get3A_110 : f32 to vector<1024x1xf32>
      %add3A_121 = arith.addf %add3A_120, %sqrt3A_119 : vector<1024x1xf32>
      %swap3A_122 = arith.constant 0 : index
      %swap3A_123 = arith.constant 0 : index
      %swap3A_124 = vector.load %arg7[%swap3A_122, %swap3A_123] : memref<1024x1xf32, #tpu.memory_space<vmem>>, vector<1024x1xf32>
      tpu.vector_store %arg7[%swap3A_122, %swap3A_123], %add3A_121 {strides = array<i32>} : memref<1024x1xf32, #tpu.memory_space<vmem>>, vector<1024x1xf32>,
      %broadcast_in_dim3A_125 = arith.constant 0xFF800000 : f32
      %broadcast_in_dim3A_126 = vector.broadcast %broadcast_in_dim3A_125 : f32 to vector<1024x1xf32>
      %swap3A_127 = arith.constant 0 : index
      %swap3A_128 = arith.constant 0 : index
      %swap3A_129 = vector.load %arg10[%swap3A_127, %swap3A_128] : memref<1024x1xf32, #tpu.memory_space<vmem>>, vector<1024x1xf32>
      tpu.vector_store %arg10[%swap3A_127, %swap3A_128], %broadcast_in_dim3A_126 {strides = array<i32>} : memref<1024x1xf32, #tpu.memory_space<vmem>>, vector<1024x1xf32>,
      %broadcast_in_dim3A_130 = arith.constant 0xFF800000 : f32
      %broadcast_in_dim3A_131 = vector.broadcast %broadcast_in_dim3A_130 : f32 to vector<1024x1xf32>
      %swap3A_132 = arith.constant 0 : index
      %swap3A_133 = arith.constant 0 : index
      %swap3A_134 = vector.load %arg12[%swap3A_132, %swap3A_133] : memref<1024x1xf32, #tpu.memory_space<vmem>>, vector<1024x1xf32>
      tpu.vector_store %arg12[%swap3A_132, %swap3A_133], %broadcast_in_dim3A_131 {strides = array<i32>} : memref<1024x1xf32, #tpu.memory_space<vmem>>, vector<1024x1xf32>,
      %broadcast_in_dim3A_135 = arith.constant 0 : i32
      %broadcast_in_dim3A_136 = vector.broadcast %broadcast_in_dim3A_135 : i32 to vector<1024x1xi32>
      %swap3A_137 = arith.constant 0 : index
      %swap3A_138 = arith.constant 0 : index
      %swap3A_139 = vector.load %arg11[%swap3A_137, %swap3A_138] : memref<1024x1xi32, #tpu.memory_space<vmem>>, vector<1024x1xi32>
      tpu.vector_store %arg11[%swap3A_137, %swap3A_138], %broadcast_in_dim3A_136 {strides = array<i32>} : memref<1024x1xi32, #tpu.memory_space<vmem>>, vector<1024x1xi32>,
    } else {
    }
    %get3A = arith.constant 0 : index
    %get3A_2 = arith.constant 0 : index
    %get3A_3 = vector.load %arg3[%get3A, %get3A_2] : memref<5120x128xf32, #tpu.memory_space<vmem>>, vector<5120x128xf32>
    %mul3A = arith.mulf %get3A_3, %get3A_3 : vector<5120x128xf32>
    %reduce_sum3A = arith.constant dense<0.000000e+00> : vector<5120xf32>
    %reduce_sum3A_4 = vector.multi_reduction <add>, %mul3A, %reduce_sum3A [1] : vector<5120x128xf32> to vector<5120xf32>
    %broadcast_in_dim3A = vector.shape_cast %reduce_sum3A_4 : vector<5120xf32> to vector<5120x1xf32>
    %sqrt3A = math.sqrt %broadcast_in_dim3A : vector<5120x1xf32>
    %max3A = arith.constant 9.99999993E-9 : f32
    %max3A_5 = vector.broadcast %max3A : f32 to vector<5120x1xf32>
    %max3A_6 = arith.maximumf %sqrt3A, %max3A_5 : vector<5120x1xf32>
    %div3A = vector.broadcast %max3A_6 : vector<5120x1xf32> to vector<5120x128xf32>
    %div3A_7 = arith.divf %get3A_3, %div3A : vector<5120x128xf32>
    %get3A_8 = arith.constant 0 : index
    %get3A_9 = arith.constant 0 : index
    %get3A_10 = vector.load %arg8[%get3A_8, %get3A_9] : memref<1024x128xf32, #tpu.memory_space<vmem>>, vector<1024x128xf32>
    %dot_general3A = arith.constant dense<0.000000e+00> : vector<1024x5120xf32>
    %dot_general3A_11 = tpu.matmul %get3A_10, %div3A_7, %dot_general3A {dimension_numbers = #tpu.dot_dimension_numbers<[1], [1], [0], [0], [0, 0, 1, 0], [], []>, transpose_lhs_hint = false} : vector<1024x128xf32>, vector<5120x128xf32>, vector<1024x5120xf32> -> vector<1024x5120xf32>
    %swap3A = arith.constant 0 : index
    %swap3A_12 = arith.constant 0 : index
    %swap3A_13 = vector.load %arg9[%swap3A, %swap3A_12] : memref<1024x5120xf32, #tpu.memory_space<vmem>>, vector<1024x5120xf32>
    tpu.vector_store %arg9[%swap3A, %swap3A_12], %dot_general3A_11 {strides = array<i32>} : memref<1024x5120xf32, #tpu.memory_space<vmem>>, vector<1024x5120xf32>,
    %iota3A = tpu.iota {dimensions = array<i32: 1>} : vector<1024x5120xi32>
    %convert_element_type3A_14 = arith.sitofp %iota3A : vector<1024x5120xi32> to vector<1024x5120xf32>
    %eq3A_15 = arith.constant 19 : i32
    %eq3A_16 = arith.cmpi eq, %arg0, %eq3A_15 : i32
    %convert_element_type3A_17 = arith.extui %eq3A_16 : i1 to i32
    %cond3A_18 = arith.constant 0 : i32
    %cond3A_19 = arith.cmpi ne, %convert_element_type3A_17, %cond3A_18 : i32
    scf.if %cond3A_19 {
      %lt3A = arith.constant 2.720000e+03 : f32
      %lt3A_76 = vector.broadcast %lt3A : f32 to vector<1024x5120xf32>
      %lt3A_77 = arith.cmpf olt, %convert_element_type3A_14, %lt3A_76 : vector<1024x5120xf32>
      %get3A_78 = arith.constant 0 : index
      %get3A_79 = arith.constant 0 : index
      %get3A_80 = vector.load %arg9[%get3A_78, %get3A_79] : memref<1024x5120xf32, #tpu.memory_space<vmem>>, vector<1024x5120xf32>
      %jit3A_81 = arith.constant 0xFF800000 : f32
      %broadcast_in_dim3A_82 = vector.broadcast %jit3A_81 : f32 to vector<1024x5120xf32>
      %select_n3A_83 = arith.select %lt3A_77, %get3A_80, %broadcast_in_dim3A_82 : vector<1024x5120xi1>, vector<1024x5120xf32>
      %swap3A_84 = arith.constant 0 : index
      %swap3A_85 = arith.constant 0 : index
      %swap3A_86 = vector.load %arg9[%swap3A_84, %swap3A_85] : memref<1024x5120xf32, #tpu.memory_space<vmem>>, vector<1024x5120xf32>
      tpu.vector_store %arg9[%swap3A_84, %swap3A_85], %select_n3A_83 {strides = array<i32>} : memref<1024x5120xf32, #tpu.memory_space<vmem>>, vector<1024x5120xf32>,
    } else {
    }
    %get3A_20 = arith.constant 0 : index
    %get3A_21 = arith.constant 0 : index
    %get3A_22 = vector.load %arg9[%get3A_20, %get3A_21] : memref<1024x5120xf32, #tpu.memory_space<vmem>>, vector<1024x5120xf32>
    %reduce_max3A = arith.constant dense<0xFF800000> : vector<1024xf32>
    %reduce_max3A_23 = vector.multi_reduction <maximumf>, %get3A_22, %reduce_max3A [1] : vector<1024x5120xf32> to vector<1024xf32>
    %broadcast_in_dim3A_24 = vector.shape_cast %reduce_max3A_23 : vector<1024xf32> to vector<1024x1xf32>
    %eq3A_25 = vector.broadcast %broadcast_in_dim3A_24 : vector<1024x1xf32> to vector<1024x5120xf32>
    %eq3A_26 = arith.cmpf oeq, %get3A_22, %eq3A_25 : vector<1024x5120xf32>
    %jit3A = arith.constant 1.024000e+04 : f32
    %broadcast_in_dim3A_27 = vector.broadcast %jit3A : f32 to vector<1024x5120xf32>
    %select_n3A = arith.select %eq3A_26, %convert_element_type3A_14, %broadcast_in_dim3A_27 : vector<1024x5120xi1>, vector<1024x5120xf32>
    %reduce_min3A = arith.constant dense<0x7F800000> : vector<1024xf32>
    %reduce_min3A_28 = vector.multi_reduction <minimumf>, %select_n3A, %reduce_min3A [1] : vector<1024x5120xf32> to vector<1024xf32>
    %broadcast_in_dim3A_29 = vector.shape_cast %reduce_min3A_28 : vector<1024xf32> to vector<1024x1xf32>
    %eq3A_30 = vector.broadcast %broadcast_in_dim3A_29 : vector<1024x1xf32> to vector<1024x5120xf32>
    %eq3A_31 = arith.cmpf oeq, %convert_element_type3A_14, %eq3A_30 : vector<1024x5120xf32>
    %jit3A_32 = arith.constant 0xFF800000 : f32
    %broadcast_in_dim3A_33 = vector.broadcast %jit3A_32 : f32 to vector<1024x5120xf32>
    %select_n3A_34 = arith.select %eq3A_31, %broadcast_in_dim3A_33, %get3A_22 : vector<1024x5120xi1>, vector<1024x5120xf32>
    %reduce_max3A_35 = arith.constant dense<0xFF800000> : vector<1024xf32>
    %reduce_max3A_36 = vector.multi_reduction <maximumf>, %select_n3A_34, %reduce_max3A_35 [1] : vector<1024x5120xf32> to vector<1024xf32>
    %broadcast_in_dim3A_37 = vector.shape_cast %reduce_max3A_36 : vector<1024xf32> to vector<1024x1xf32>
    %get3A_38 = arith.constant 0 : index
    %get3A_39 = arith.constant 0 : index
    %get3A_40 = vector.load %arg10[%get3A_38, %get3A_39] : memref<1024x1xf32, #tpu.memory_space<vmem>>, vector<1024x1xf32>
    %gt3A = arith.cmpf ogt, %broadcast_in_dim3A_24, %get3A_40 : vector<1024x1xf32>
    %get3A_41 = arith.constant 0 : index
    %get3A_42 = arith.constant 0 : index
    %get3A_43 = vector.load %arg10[%get3A_41, %get3A_42] : memref<1024x1xf32, #tpu.memory_space<vmem>>, vector<1024x1xf32>
    %get3A_44 = arith.constant 0 : index
    %get3A_45 = arith.constant 0 : index
    %get3A_46 = vector.load %arg12[%get3A_44, %get3A_45] : memref<1024x1xf32, #tpu.memory_space<vmem>>, vector<1024x1xf32>
    %select_n3A_47 = arith.select %gt3A, %get3A_43, %get3A_46 : vector<1024x1xi1>, vector<1024x1xf32>
    %select_n3A_48 = arith.select %gt3A, %broadcast_in_dim3A_37, %broadcast_in_dim3A_24 : vector<1024x1xi1>, vector<1024x1xf32>
    %max3A_49 = arith.maximumf %select_n3A_47, %select_n3A_48 : vector<1024x1xf32>
    %swap3A_50 = arith.constant 0 : index
    %swap3A_51 = arith.constant 0 : index
    %swap3A_52 = vector.load %arg12[%swap3A_50, %swap3A_51] : memref<1024x1xf32, #tpu.memory_space<vmem>>, vector<1024x1xf32>
    tpu.vector_store %arg12[%swap3A_50, %swap3A_51], %max3A_49 {strides = array<i32>} : memref<1024x1xf32, #tpu.memory_space<vmem>>, vector<1024x1xf32>,
    %convert_element_type3A_53 = arith.fptosi %broadcast_in_dim3A_29 : vector<1024x1xf32> to vector<1024x1xi32>
    %mul3A_54 = arith.constant 5120 : i32
    %mul3A_55 = arith.muli %arg0, %mul3A_54 : i32
    %add3A = vector.broadcast %mul3A_55 : i32 to vector<1024x1xi32>
    %add3A_56 = arith.addi %convert_element_type3A_53, %add3A : vector<1024x1xi32>
    %get3A_57 = arith.constant 0 : index
    %get3A_58 = arith.constant 0 : index
    %get3A_59 = vector.load %arg11[%get3A_57, %get3A_58] : memref<1024x1xi32, #tpu.memory_space<vmem>>, vector<1024x1xi32>
    %select_n3A_60 = arith.select %gt3A, %add3A_56, %get3A_59 : vector<1024x1xi1>, vector<1024x1xi32>
    %swap3A_61 = arith.constant 0 : index
    %swap3A_62 = arith.constant 0 : index
    %swap3A_63 = vector.load %arg11[%swap3A_61, %swap3A_62] : memref<1024x1xi32, #tpu.memory_space<vmem>>, vector<1024x1xi32>
    tpu.vector_store %arg11[%swap3A_61, %swap3A_62], %select_n3A_60 {strides = array<i32>} : memref<1024x1xi32, #tpu.memory_space<vmem>>, vector<1024x1xi32>,
    %get3A_64 = arith.constant 0 : index
    %get3A_65 = arith.constant 0 : index
    %get3A_66 = vector.load %arg10[%get3A_64, %get3A_65] : memref<1024x1xf32, #tpu.memory_space<vmem>>, vector<1024x1xf32>
    %select_n3A_67 = arith.select %gt3A, %broadcast_in_dim3A_24, %get3A_66 : vector<1024x1xi1>, vector<1024x1xf32>
    %swap3A_68 = arith.constant 0 : index
    %swap3A_69 = arith.constant 0 : index
    %swap3A_70 = vector.load %arg10[%swap3A_68, %swap3A_69] : memref<1024x1xf32, #tpu.memory_space<vmem>>, vector<1024x1xf32>
    tpu.vector_store %arg10[%swap3A_68, %swap3A_69], %select_n3A_67 {strides = array<i32>} : memref<1024x1xf32, #tpu.memory_space<vmem>>, vector<1024x1xf32>,
    %eq3A_71 = arith.constant 19 : i32
    %eq3A_72 = arith.cmpi eq, %arg0, %eq3A_71 : i32
    %convert_element_type3A_73 = arith.extui %eq3A_72 : i1 to i32
    %cond3A_74 = arith.constant 0 : i32
    %cond3A_75 = arith.cmpi ne, %convert_element_type3A_73, %cond3A_74 : i32
    scf.if %cond3A_75 {
      %get3A_76 = arith.constant 0 : index
      %get3A_77 = arith.constant 0 : index
      %get3A_78 = vector.load %arg12[%get3A_76, %get3A_77] : memref<1024x1xf32, #tpu.memory_space<vmem>>, vector<1024x1xf32>
      %sub3A = arith.constant 1.000000e+00 : f32
      %sub3A_79 = vector.broadcast %sub3A : f32 to vector<1024x1xf32>
      %sub3A_80 = arith.subf %sub3A_79, %get3A_78 : vector<1024x1xf32>
      %mul3A_81 = arith.constant 2.000000e+00 : f32
      %mul3A_82 = vector.broadcast %mul3A_81 : f32 to vector<1024x1xf32>
      %mul3A_83 = arith.mulf %mul3A_82, %sub3A_80 : vector<1024x1xf32>
      %max3A_84 = arith.constant 0.000000e+00 : f32
      %max3A_85 = vector.broadcast %max3A_84 : f32 to vector<1024x1xf32>
      %max3A_86 = arith.maximumf %mul3A_83, %max3A_85 : vector<1024x1xf32>
      %sqrt3A_87 = math.sqrt %max3A_86 : vector<1024x1xf32>
      %swap3A_88 = arith.constant 0 : index
      %swap3A_89 = arith.constant 0 : index
      %swap3A_90 = vector.load %arg5[%swap3A_88, %swap3A_89] : memref<1024x1xf32, #tpu.memory_space<vmem>>, vector<1024x1xf32>
      tpu.vector_store %arg5[%swap3A_88, %swap3A_89], %sqrt3A_87 {strides = array<i32>} : memref<1024x1xf32, #tpu.memory_space<vmem>>, vector<1024x1xf32>,
      %get3A_91 = arith.constant 0 : index
      %get3A_92 = arith.constant 0 : index
      %get3A_93 = vector.load %arg11[%get3A_91, %get3A_92] : memref<1024x1xi32, #tpu.memory_space<vmem>>, vector<1024x1xi32>
      %swap3A_94 = arith.constant 0 : index
      %swap3A_95 = arith.constant 0 : index
      %swap3A_96 = vector.load %arg6[%swap3A_94, %swap3A_95] : memref<1024x1xi32, #tpu.memory_space<vmem>>, vector<1024x1xi32>
      tpu.vector_store %arg6[%swap3A_94, %swap3A_95], %get3A_93 {strides = array<i32>} : memref<1024x1xi32, #tpu.memory_space<vmem>>, vector<1024x1xi32>,
    } else {
    }
    return
  }
  func.func @transform_0(%arg0: i32) -> (i32, i32) {
    %c0_i32 = arith.constant 0 : i32
    %c0_i32_0 = arith.constant 0 : i32
    %c0_i32_1 = arith.constant 0 : i32
    return %c0_i32, %c0_i32_0 : i32, i32
  }
  func.func @transform_1(%arg0: i32) -> (i32, i32) {
    %c0_i32 = arith.constant 0 : i32
    %c0_i32_0 = arith.constant 0 : i32
    %c0_i32_1 = arith.constant 0 : i32
    return %c0_i32, %c0_i32_0 : i32, i32
  }
  func.func @transform_2(%arg0: i32) -> (i32, i32) {
    %c0_i32 = arith.constant 0 : i32
    %c0_i32_0 = arith.constant 0 : i32
    return %arg0, %c0_i32 : i32, i32
  }
  func.func @transform_3(%arg0: i32) -> i32 {
    %c0_i32 = arith.constant 0 : i32
    %c0_i32_0 = arith.constant 0 : i32
    return %c0_i32 : i32
  }
  func.func @transform_4(%arg0: i32) -> (i32, i32) {
    %c0_i32 = arith.constant 0 : i32
    %c0_i32_0 = arith.constant 0 : i32
    %c0_i32_1 = arith.constant 0 : i32
    return %c0_i32, %c0_i32_0 : i32, i32
  }
  func.func @transform_5(%arg0: i32) -> (i32, i32) {
    %c0_i32 = arith.constant 0 : i32
    %c0_i32_0 = arith.constant 0 : i32
    %c0_i32_1 = arith.constant 0 : i32
    return %c0_i32, %c0_i32_0 : i32, i32
  }
  func.func @transform_6(%arg0: i32) -> (i32, i32) {
    %c0_i32 = arith.constant 0 : i32
    %c0_i32_0 = arith.constant 0 : i32
    %c0_i32_1 = arith.constant 0 : i32
    return %c0_i32, %c0_i32_0 : i32, i32
  }
}

module attributes {stable_mosaic.version = 14 : i64} {
  func.func @_finish_body(%arg0: memref<1024x128xf32, #tpu.memory_space<vmem>>, %arg1: memref<1024x128xf32, #tpu.memory_space<vmem>>, %arg2: memref<1024x128xf32, #tpu.memory_space<vmem>>, %arg3: memref<1024x1xf32, #tpu.memory_space<vmem>>, %arg4: memref<1024x1xf32, #tpu.memory_space<vmem>>, %arg5: memref<1x1xf32, #tpu.memory_space<vmem>>) attributes {dimension_semantics = [], scalar_prefetch = 0 : i64, scratch_operands = 0 : i64, tpu.core_type = #tpu.core_type<tc>} {
    %get3A = arith.constant 0 : index
    %get3A_0 = arith.constant 0 : index
    %get3A_1 = vector.load %arg0[%get3A, %get3A_0] : memref<1024x128xf32, #tpu.memory_space<vmem>>, vector<1024x128xf32>
    %get3A_2 = arith.constant 0 : index
    %get3A_3 = arith.constant 0 : index
    %get3A_4 = vector.load %arg1[%get3A_2, %get3A_3] : memref<1024x128xf32, #tpu.memory_space<vmem>>, vector<1024x128xf32>
    %mul3A = arith.mulf %get3A_1, %get3A_4 : vector<1024x128xf32>
    %reduce_sum3A = arith.constant dense<0.000000e+00> : vector<1024xf32>
    %reduce_sum3A_5 = vector.multi_reduction <add>, %mul3A, %reduce_sum3A [1] : vector<1024x128xf32> to vector<1024xf32>
    %broadcast_in_dim3A = vector.shape_cast %reduce_sum3A_5 : vector<1024xf32> to vector<1024x1xf32>
    %mul3A_6 = arith.mulf %get3A_1, %get3A_1 : vector<1024x128xf32>
    %reduce_sum3A_7 = arith.constant dense<0.000000e+00> : vector<1024xf32>
    %reduce_sum3A_8 = vector.multi_reduction <add>, %mul3A_6, %reduce_sum3A_7 [1] : vector<1024x128xf32> to vector<1024xf32>
    %broadcast_in_dim3A_9 = vector.shape_cast %reduce_sum3A_8 : vector<1024xf32> to vector<1024x1xf32>
    %sqrt3A = math.sqrt %broadcast_in_dim3A_9 : vector<1024x1xf32>
    %mul3A_10 = arith.mulf %get3A_4, %get3A_4 : vector<1024x128xf32>
    %reduce_sum3A_11 = arith.constant dense<0.000000e+00> : vector<1024xf32>
    %reduce_sum3A_12 = vector.multi_reduction <add>, %mul3A_10, %reduce_sum3A_11 [1] : vector<1024x128xf32> to vector<1024xf32>
    %broadcast_in_dim3A_13 = vector.shape_cast %reduce_sum3A_12 : vector<1024xf32> to vector<1024x1xf32>
    %sqrt3A_14 = math.sqrt %broadcast_in_dim3A_13 : vector<1024x1xf32>
    %mul3A_15 = arith.mulf %sqrt3A, %sqrt3A_14 : vector<1024x1xf32>
    %max3A = arith.constant 9.99999993E-9 : f32
    %max3A_16 = vector.broadcast %max3A : f32 to vector<1024x1xf32>
    %max3A_17 = arith.maximumf %mul3A_15, %max3A_16 : vector<1024x1xf32>
    %div3A = arith.divf %broadcast_in_dim3A, %max3A_17 : vector<1024x1xf32>
    %sub3A = arith.constant 1.000000e+00 : f32
    %sub3A_18 = vector.broadcast %sub3A : f32 to vector<1024x1xf32>
    %sub3A_19 = arith.subf %sub3A_18, %div3A : vector<1024x1xf32>
    %mul3A_20 = arith.constant 2.000000e+00 : f32
    %mul3A_21 = vector.broadcast %mul3A_20 : f32 to vector<1024x1xf32>
    %mul3A_22 = arith.mulf %mul3A_21, %sub3A_19 : vector<1024x1xf32>
    %max3A_23 = arith.constant 0.000000e+00 : f32
    %max3A_24 = vector.broadcast %max3A_23 : f32 to vector<1024x1xf32>
    %max3A_25 = arith.maximumf %mul3A_22, %max3A_24 : vector<1024x1xf32>
    %sqrt3A_26 = math.sqrt %max3A_25 : vector<1024x1xf32>
    %get3A_27 = arith.constant 0 : index
    %get3A_28 = arith.constant 0 : index
    %get3A_29 = vector.load %arg2[%get3A_27, %get3A_28] : memref<1024x128xf32, #tpu.memory_space<vmem>>, vector<1024x128xf32>
    %eq3A = arith.cmpf oeq, %get3A_4, %get3A_29 : vector<1024x128xf32>
    %reduce_and3A = arith.constant 1.000000e+00 : f32
    %reduce_and3A_30 = arith.constant 0.000000e+00 : f32
    %reduce_and3A_31 = vector.broadcast %reduce_and3A : f32 to vector<1024x128xf32>
    %reduce_and3A_32 = vector.broadcast %reduce_and3A_30 : f32 to vector<1024x128xf32>
    %reduce_and3A_33 = arith.select %eq3A, %reduce_and3A_31, %reduce_and3A_32 : vector<1024x128xi1>, vector<1024x128xf32>
    %reduce_and3A_34 = arith.constant dense<0x7F800000> : vector<1024xf32>
    %reduce_and3A_35 = vector.multi_reduction <minimumf>, %reduce_and3A_33, %reduce_and3A_34 [1] : vector<1024x128xf32> to vector<1024xf32>
    %reduce_and3A_36 = arith.constant 0.000000e+00 : f32
    %reduce_and3A_37 = vector.broadcast %reduce_and3A_36 : f32 to vector<1024xf32>
    %reduce_and3A_38 = arith.cmpf ogt, %reduce_and3A_35, %reduce_and3A_37 : vector<1024xf32>
    %broadcast_in_dim3A_39 = vector.shape_cast %reduce_and3A_38 : vector<1024xi1> to vector<1024x1xi1>
    %get3A_40 = arith.constant 0 : index
    %get3A_41 = arith.constant 0 : index
    %get3A_42 = vector.load %arg3[%get3A_40, %get3A_41] : memref<1024x1xf32, #tpu.memory_space<vmem>>, vector<1024x1xf32>
    %select_n3A = arith.select %broadcast_in_dim3A_39, %get3A_42, %sqrt3A_26 : vector<1024x1xi1>, vector<1024x1xf32>
    %get3A_43 = arith.constant 0 : index
    %get3A_44 = arith.constant 0 : index
    %get3A_45 = vector.load %arg4[%get3A_43, %get3A_44] : memref<1024x1xf32, #tpu.memory_space<vmem>>, vector<1024x1xf32>
    %sub3A_46 = arith.subf %get3A_45, %select_n3A : vector<1024x1xf32>
    %max3A_47 = arith.constant 0.000000e+00 : f32
    %max3A_48 = vector.broadcast %max3A_47 : f32 to vector<1024x1xf32>
    %max3A_49 = arith.maximumf %sub3A_46, %max3A_48 : vector<1024x1xf32>
    %mul3A_50 = arith.constant 2.000000e+00 : f32
    %mul3A_51 = vector.broadcast %mul3A_50 : f32 to vector<1024x1xf32>
    %mul3A_52 = arith.mulf %max3A_49, %mul3A_51 : vector<1024x1xf32>
    %reduce_sum3A_53 = vector.shape_cast %mul3A_52 : vector<1024x1xf32> to vector<1x1024x1xf32>
    %reduce_sum3A_54 = arith.constant dense<0.000000e+00> : vector<1xf32>
    %reduce_sum3A_55 = vector.multi_reduction <add>, %reduce_sum3A_53, %reduce_sum3A_54 [1, 2] : vector<1x1024x1xf32> to vector<1xf32>
    %reduce_sum3A_56 = vector.shape_cast %reduce_sum3A_55 : vector<1xf32> to vector<1x1x1xf32>
    %reduce_sum3A_57 = vector.extract %reduce_sum3A_56[0, 0, 0] : f32 from vector<1x1x1xf32>
    %div3A_58 = arith.constant 1.024000e+03 : f32
    %div3A_59 = arith.divf %reduce_sum3A_57, %div3A_58 : f32
    %reshape3A = vector.broadcast %div3A_59 : f32 to vector<1x1xf32>
    %swap3A = arith.constant 0 : index
    %swap3A_60 = arith.constant 0 : index
    %swap3A_61 = vector.load %arg5[%swap3A, %swap3A_60] : memref<1x1xf32, #tpu.memory_space<vmem>>, vector<1x1xf32>
    tpu.vector_store %arg5[%swap3A, %swap3A_60], %reshape3A {strides = array<i32>} : memref<1x1xf32, #tpu.memory_space<vmem>>, vector<1x1xf32>,
    return
  }
}

</mosaic_0001>

<sc_bundles>
// kernel: kernel.5.cloned.1.call-start
scs
__scs_entry_jumppad:
0x0: {  	(pc) =	sbr.rel $0x88, $3  }
0x1: {  	(tag) =	ssettag $0x0;
	lr =	simm.s32 $0x1  }
0x2: {  	[smem:$0x3F9D] =	sst lr;
	_ =	strace $0xD0000000  }
0x3: {  	_ = 	snop  }
0x4: {  	_ = 	snop  }
0x5: {  	_ = 	snop  }
0x6: {  	_ = 	snop  }
0x7: {  	_ = 	snop  }
__scs_overlays_trampoline_lowered:
0x8: {  	[smem:$0x3FAC] =	sst s0  }
0x9: {  	[smem:$0x3FAD] =	sst s1  }
0xa: {  	[smem:$0x3FAE] =	sst s2  }
0xb: {  	[smem:$0x3FAF] =	sst s3  }
0xc: {  	[smem:$0x3FB0] =	sst s4  }
0xd: {  	[smem:$0x3FB1] =	sst s5  }
0xe: {  	[smem:$0x3FB2] =	sst s6  }
0xf: {  	[smem:$0x3FB3] =	sst s7  }
0x10: {  	[smem:$0x3FB4] =	sst s8  }
0x11: {  	[smem:$0x3FB5] =	sst s9;
	s0 =	simm.s32 @!p0 $0x0  }
0x12: {  	s1 =	sld [smem:$0x3F9B];
	s0 =	simm.s32 @p0 $0x1  }
0x13: {  	[smem:$0x3FB6] =	sst s0;
	s0 =	simm.s32 @!p1 $0x0  }
0x14: {  	s2 =	sld [smem:$0x3F9A];
	s0 =	simm.s32 @p1 $0x1  }
0x15: {  	[smem:$0x3FB7] =	sst s0;
	s0 =	simm.s32 @!p2 $0x0  }
0x16: {  	s3 =	sld [smem:$0x3FDB];
	s0 =	simm.s32 @p2 $0x1  }
0x17: {  	s4 =	simm.s32 $0x1BF5;
	[smem:$0x3FB9] =	sst s0  }
0x18: {  	s0 =	sld [smem:$0x3F9C];
	_ =	swait.ge [sflag:s4], $0x0  }
0x19: {  	s7 =	sld [smem:$0x3F9D]  }
0x1a: {  	s8 =	sadd.s32 $0xFFFFE003, lr  }
0x1b: {  	s9 =	sadd.s32 $0xFFFFFEF7, lr;
	s5 =	simm.s32 $0xFFFFFFFF;
	p2 =	slt.u32 s8, $0xFFFFF086  }
0x1c: {  	p1 =	slt.u32 s9, $0xF7A;
	s5 =	simm.s32 @!p2 $0x0  }
0x1d: {  	s5 =	simm.s32 @p1 $0x1;
	p0 =	seq.s32 s7, s2  }
0x1e: {  	s7 =	smul.u32 @!p0 $0xF7A, s2;
	p2 =	seq.s32 @!p0 s5, $0x0  }
0x1f: {  	s9 =	smul.u32 $0xF7A, s1;
	s8 =	simm.s32 @!p0 $0x1BF5;
	p2 =	por !p2, p0  }
0x20: {  	[sflag:s8] =	ssyncset.s32 @!p0 $0xFFFFF086;
	s6 =	sadd.s32 @!p0 s3, s7;
	s7 =	simm.s32 @!p0 $0x108  }
0x21: {  	s3 =	sadd.s32 s3, s9;
	s6 =	sadd.s32 @!p0 $0x88, s6;
	s7 =	simm.s32 @p2 $0x1082  }
0x22: {  	[simem:s7], [sflag:s8] =	dma.local @!p0 [hbm:s6], $0xF7A  }
0x23: {  	s9 =	sor.u32 $0xD0000000, s2;
	s6 =	simm.s32 $0x108;
	_ =	swait.ge @!p0 [sflag:s8], $0x0  }
0x24: {  	s3 =	sadd.s32 $0x88, s3;
	s6 =	simm.s32 @!p1 $0x1082;
	[sflag:s4] =	ssyncset.s32 $0xFFFFF086  }
0x25: {  	[simem:s6], [sflag:s4] =	dma.local [hbm:s3], $0xF7A  }
0x26: {  	[smem:$0x3F9D] =	sst s1;
	(tag) =	ssettag s2;
	_ =	strace s9  }
0x27: {  	s1 =	sld [smem:$0x3FAD]  }
0x28: {  	s2 =	sld [smem:$0x3FAE]  }
0x29: {  	s4 =	sld [smem:$0x3FB0]  }
0x2a: {  	p0 =	seq.s32 s5, $0x0;
	s5 =	sld [smem:$0x3FB1]  }
0x2b: {  	s6 =	sld [smem:$0x3FB2]  }
0x2c: {  	s7 =	sld [smem:$0x3FB3]  }
0x2d: {  	s3 =	simm.s32 $0x108;
	s8 =	sld [smem:$0x3FB4]  }
0x2e: {  	s3 =	simm.s32 @!p0 $0x1082;
	s9 =	sld [smem:$0x3FB5]  }
0x2f: {  	lr =	sadd.s32 s0, s3;
	s0 =	sld [smem:$0x3FAC]  }
0x30: {  	s3 =	sld [smem:$0x3FAF]  }
0x31: {  	[smem:$0x3FB8] =	sst s10  }
0x32: {  	s10 =	sld [smem:$0x3FB6];
	_ =	sdelay $0x3  }
0x33: {  	p0 =	seq.s32 s10, $0x1;
	s10 =	sld [smem:$0x3FB8];
	_ =	sdelay $0x3  }
0x34: {  	[smem:$0x3FB8] =	sst s10  }
0x35: {  	s10 =	sld [smem:$0x3FB7];
	_ =	sdelay $0x3  }
0x36: {  	p1 =	seq.s32 s10, $0x1;
	s10 =	sld [smem:$0x3FB8];
	_ =	sdelay $0x3  }
0x37: {  	[smem:$0x3FB8] =	sst s10  }
0x38: {  	s10 =	sld [smem:$0x3FB9]  }
0x39: {  	_ = 	snop;
	(pc) =	sbr.ind lr, $3  }
0x3a: {  	_ = 	snop  }
0x3b: {  	_ = 	snop  }
0x3c: {  	p2 =	seq.s32 s10, $0x1;
	s10 =	sld [smem:$0x3FB8]  }
0x3d: {  	_ =	shalt  }
0x3e: {  	_ =	shalt  }
0x3f: {  	_ =	shalt  }
0x40: {  	_ =	shalt  }
0x41: {  	_ =	shalt  }
0x42: {  	_ =	shalt  }
0x43: {  	_ =	shalt  }
0x44: {  	_ =	shalt  }
0x45: {  	_ =	shalt  }
0x46: {  	_ =	shalt  }
0x47: {  	_ =	shalt  }
0x48: {  	_ =	shalt  }
0x49: {  	_ =	shalt  }
0x4a: {  	_ =	shalt  }
0x4b: {  	_ =	shalt  }
0x4c: {  	_ =	shalt  }
0x4d: {  	_ =	shalt  }
0x4e: {  	_ =	shalt  }
0x4f: {  	_ =	shalt  }
0x50: {  	_ =	shalt  }
0x51: {  	_ =	shalt  }
0x52: {  	_ =	shalt  }
0x53: {  	_ =	shalt  }
0x54: {  	_ =	shalt  }
0x55: {  	_ =	shalt  }
0x56: {  	_ =	shalt  }
0x57: {  	_ =	shalt  }
0x58: {  	_ =	shalt  }
0x59: {  	_ =	shalt  }
0x5a: {  	_ =	shalt  }
0x5b: {  	_ =	shalt  }
0x5c: {  	_ =	shalt  }
0x5d: {  	_ =	shalt  }
0x5e: {  	_ =	shalt  }
0x5f: {  	_ =	shalt  }
0x60: {  	_ =	shalt  }
0x61: {  	_ =	shalt  }
0x62: {  	_ =	shalt  }
0x63: {  	_ =	shalt  }
0x64: {  	_ =	shalt  }
0x65: {  	_ =	shalt  }
0x66: {  	_ =	shalt  }
0x67: {  	_ =	shalt  }
0x68: {  	_ =	shalt  }
0x69: {  	_ =	shalt  }
0x6a: {  	_ =	shalt  }
0x6b: {  	_ =	shalt  }
0x6c: {  	_ =	shalt  }
0x6d: {  	_ =	shalt  }
0x6e: {  	_ =	shalt  }
0x6f: {  	_ =	shalt  }
0x70: {  	_ =	shalt  }
0x71: {  	_ =	shalt  }
0x72: {  	_ =	shalt  }
0x73: {  	_ =	shalt  }
0x74: {  	_ =	shalt  }
0x75: {  	_ =	shalt  }
0x76: {  	_ =	shalt  }
0x77: {  	_ =	shalt  }
0x78: {  	_ =	shalt  }
0x79: {  	_ =	shalt  }
0x7a: {  	_ =	shalt  }
0x7b: {  	_ =	shalt  }
0x7c: {  	_ =	shalt  }
0x7d: {  	_ =	shalt  }
0x7e: {  	_ =	shalt  }
0x7f: {  	_ =	shalt  }
0x80: {  	_ =	shalt  }
0x81: {  	_ =	shalt  }
0x82: {  	_ =	shalt  }
0x83: {  	_ =	shalt  }
0x84: {  	_ =	shalt  }
0x85: {  	_ =	shalt  }
0x86: {  	_ =	shalt  }
0x87: {  	_ =	shalt  }
.Lfunc_end0:
.L_simem_size_0:
called_computation_lowered:
.L_overlay_start_0:
0x88: {  	s2 =	sld [smem:$0x3FD9]  }
0x89: {  	s3 =	sld [smem:$0x3FFE];
	_ =	sdelay $0x1  }
0x8a: {  	s1 =	srdreg.scid  }
0x8b: {  	s0 =	sand.u32 $0x1, s1  }
0x8c: {  	s17 =	sshll.u32 s0, $0xA;
	s2 =	sadd.s32 s3, s2  }
0x8d: {  	s2 =	sadd.s32 s2, s17  }
0x8e: {  	[smem:$0x3FC4] =	sst s2  }
0x8f: {  	_ = 	snop  }
0x90: {  	s2 =	sld [smem:$0x3FC7];
	(tm) =	ssettm $0x1  }
0x91: {  	s18 =	sld [smem:$0x3FFB];
	_ =	sdelay $0x3  }
0x92: {  	_ =	strace s18  }
0x93: {  	s3 =	sld [smem:$0x3FFC];
	_ =	sdelay $0x3  }
0x94: {  	_ =	strace s3  }
0x95: {  	s3 =	sld [smem:$0x3FFD];
	_ =	sdelay $0x3  }
0x96: {  	_ =	strace s3  }
0x97: {  	_ =	strace $0x8FFFFFFF  }
0x98: {  	s19 =	sld [smem:$0x3FDB];
	_ =	sdelay $0x1  }
0x99: {  	s4 =	simm.s32 $_scs_section_size  }
0x9a: {  	s5 =	simm.s32 $_size__tile_overlayer_lowered;
	s6 =	simm.s32 $_tile_overlayer_lowered  }
0x9b: {  	s22 =	simm.s32 $0x1BFF;
	s21 =	sshll.u32 s6, $0x1;
	s3 =	sadd.s32 s4, s19  }
0x9c: {  	s7 =	simm.s32 $0x0;
	s20 =	sshll.u32 s5, $0x1;
	s5 =	sadd.s32 s21, s3  }
0x9d: {  	[timem:s7], [sflag:s22] =	dma.local [hbm:s5], s20  }
0x9e: {  	_ =	swait.ge [sflag:s22], s20  }
0x9f: {  	s4 =	ssub.s32 $0x0, s20;
	[sflag:s22] =	ssyncset.done $0x0  }
0xa0: {  	[sflag:s22] =	ssyncadd.s32 s4;
	_ =	sdelay $0x1  }
0xa1: {  	s23 =	simm.s32 $0x1B8B  }
0xa2: {  	_ =	swait.ge [sflag:s23], $0x1  }
0xa3: {  	[sflag:s23] =	ssyncset.done $0x0  }
0xa4: {  	s25 =	simm.s32 $0x1B8E;
	s24 =	sld [smem:$0x3FFE];
	[sflag:s23] =	ssyncadd.s32 $0xFFFFFFFF  }
0xa5: {  	s26 =	simm.s32 $execute0_lowered;
	[smem:$0x3FD2] =	sst s25  }
0xa6: {  	s5 =	sshll.u32 s26, $0x1;
	_ =	strace $0x80000046;
	[dreg:$0x1] =	wrdreg $0xFFFFFFFF  }
0xa7: {  	s28 =	simm.s32 $_size_execute0_lowered;
	s3 =	sadd.s32 s3, s5;
	[dreg:$0x0] =	wrdreg $0x0  }
0xa8: {  	s5 =	sshll.u32 s28, $0x1;
	[dreg:$0x2] =	wrdreg s3  }
0xa9: {  	[dreg:$0x3] =	wrdreg s5  }
0xaa: {  	[dreg:$0x4] =	wrdreg $0xC0  }
0xab: {  	_ =	task [dreg:s7], $0x5FFFF  }
0xac: {  	[dreg:$0x1] =	wrdreg $0xFFFFFFFF  }
0xad: {  	[dreg:$0x0] =	wrdreg $0x60  }
0xae: {  	[dreg:$0x2] =	wrdreg s2  }
0xaf: {  	[dreg:$0x3] =	wrdreg s24  }
0xb0: {  	[dreg:$0x4] =	wrdreg $0x9  }
0xb1: {  	_ =	task.clear_ibuf [dreg:s7], $0x5FFFF;
	_ =	strace $0x90000046  }
0xb2: {  	s29 =	simm.s32 $0x9;
	_ =	strace $0x80000048  }
0xb3: {  	_ =	swait.ge [sflag:s29], $0x1  }
0xb4: {  	[sflag:s29] =	ssyncadd.s32 $0xFFFFFFFF  }
0xb5: {  	_ =	strace $0x90000048  }
0xb6: {  	_ =	sfence  }
0xb7: {  	s30 =	sld [smem:$0x0];
	_ =	sdelay $0x2  }
0xb8: {  	s31 =	sshll.u32 s1, $0xD;
	s1 =	sshrl.u32 s1, $0x2  }
0xb9: {  	s3 =	sand.u32 $0x4000, s31;
	s1 =	sadd.s32 s1, s30  }
0xba: {  	s0 =	sor.u32 s3, s0;
	s1 =	sshll.u32 s1, $0x11  }
0xbb: {  	s0 =	sor.u32 s1, s0  }
0xbc: {  	s0 =	sadd.s32 $0x8F2B, s0  }
0xbd: {  	[sflag:s0] =	ssyncadd.remote.s32 $0x1  }
0xbe: {  	_ =	sfence.sel $0xFFFF  }
0xbf: {  	[dreg:$0x0] =	wrdreg $0xFFFFFFFF;
	(pc) =	sbr.abs _section_cstart, $3  }
0xc0: {  	[dreg:$0x1] =	wrdreg $0xFFFFFFFF  }
0xc1: {  	_ =	task.clear_ibuf [dreg:s7], $0x2FFFF;
	_ =	strace $0x9FFFFFFF  }
0xc2: {  	(tm) =	ssettm $0x7FFFFFFF  }
0xc3: {  	_ =	shalt  }
tec
execute0_lowered:
.L_overlay_start_1:
0x0: {  	(tag) =	ssettag $0x1  }
0x1: {  	s1 =	srdreg.scid  }
0x2: {  	s0 =	stileid.u32;
	s2 =	rddreg [dreg:$0x0];
	s6 =	sand.u32 $0x1, s1  }
0x3: {  	s9 =	rddreg [dreg:$0x1];
	s30 =	sshll.u32 s0, $0x6;
	s3 =	sshll.u32 s6, $0x5  }
0x4: {  	s7 =	simm.s32 $0x80;
	s8 =	simm.s32 $0x1;
	s10 =	sor.u32 s3, s30  }
0x5: {  	s1 =	rddreg [dreg:$0x2];
	s3 =	simm.s32 $0x0;
	s4 =	sshrl.u32 s10, $0x3  }
0x6: {  	s11 =	ssub.s32 $0x2, s6;
	[smem:$0x7FF] =	sst s3;
	s4 =	sadd.s32 s4, s9  }
0x7: {  	_ =	strace $0x80000047;
	s5 =	sadd.s32 $0xC00, s4;
	s4 =	simm.s32 $0x2  }
0x8: {  	[tilespmem:s3], [sflag:$0x2] =	stream.linear.gather [hbm4b:s5+s3], $0x20, $0x38;
	[tilespmem:$0x1080] =	vst v63  }
0x9: {  	s6 =	simm.s32 $0x20;
	s12 =	sshrl.u32 s11, $0x1;
	_ =	swait.ge [sflag:s4], $0x20  }
0xa: {  	s10 =	sshll.u32 s10, $0x4;
	s31 =	ssub.s32 s11, s12;
	[sflag:s4] =	ssyncset.done $0x0  }
0xb: {  	s9 =	sadd.s32 s10, s9;
	s10 =	smax.u32 s31, $0x1;
	[sflag:s4] =	ssyncadd.s32 $0xFFFFFFE0  }
0xc: {  	[tilespmem:s7], [sflag:$0x1] =	stream.indirect.gather [hbm4b:s2+s6], $0x80, s3, s6, $0xb8;
	[tilespmem:$0x1080] =	vst v63  }
0xd: {  	p0 =	sne.s32 s10, $0x1;
	_ =	swait.ge [sflag:s8], $0x1000  }
.Ltmp0:
0xe: {  	[sflag:s8] =	ssyncset.done $0x0;
	(pc) =	sbr.rel @!p0 .LBB2_2-.Ltmp0, $4  }
0xf: {  	s9 =	sadd.s32 $0xE00, s9;
	[sflag:s8] =	ssyncadd.s32 $0xFFFFF000  }
0x10: {  	[hbm4b:s9+s3] =	stream.linear.scatter [tilespmem:s7], [sflag:$0x2], $0x1000, $0x38;
	[tilespmem:$0x1080] =	vst v63  }
0x11: {  	_ =	swait.ge [sflag:s4], $0x1000  }
0x12: {  	s10 =	sadd.s32 $0xFFFFFFFF, s10;
	[sflag:s4] =	ssyncset.done $0x0  }
.LBB2_1:
0x13: {  	p0 =	sne.s32 s10, $0x1;
	s10 =	sadd.s32 $0xFFFFFFFF, s10;
	[sflag:s4] =	ssyncadd.s32 $0xFFFFF000  }
0x14: {  	[tilespmem:s3], [sflag:$0x2] =	stream.linear.gather [hbm4b:s5+s3], $0x20, $0x38;
	[tilespmem:$0x1080] =	vst v63  }
0x15: {  	_ =	swait.ge [sflag:s4], $0x20  }
0x16: {  	[sflag:s4] =	ssyncset.done $0x0  }
0x17: {  	[sflag:s4] =	ssyncadd.s32 $0xFFFFFFE0  }
0x18: {  	[tilespmem:s7], [sflag:$0x1] =	stream.indirect.gather [hbm4b:s2+s6], $0x80, s3, s6, $0xb8;
	[tilespmem:$0x1080] =	vst v63  }
0x19: {  	_ =	swait.ge [sflag:s8], $0x1000  }
.Ltmp1:
0x1a: {  	[sflag:s8] =	ssyncset.done $0x0;
	(pc) =	sbr.rel @p0 .LBB2_1-.Ltmp1, $4  }
0x1b: {  	[sflag:s8] =	ssyncadd.s32 $0xFFFFF000  }
0x1c: {  	[hbm4b:s9+s3] =	stream.linear.scatter [tilespmem:s7], [sflag:$0x2], $0x1000, $0x38;
	[tilespmem:$0x1080] =	vst v63  }
0x1d: {  	_ =	swait.ge [sflag:s4], $0x1000  }
0x1e: {  	[sflag:s4] =	ssyncset.done $0x0  }
.LBB2_2:
0x1f: {  	[sflag:s4] =	ssyncadd.s32 $0xFFFFF000  }
0x20: {  	_ =	sfence.sel $0x180000  }
0x21: {  	[bflag:$0x0] =	sbarrier.arrive $0xFFFF  }
0x22: {  	p0 =	sne.s32 s0, $0x0;
	_ =	strace $0x90000047  }
0x23: {  	s0 =	sadd.s32 @!p0 $0x100000, s1;
	[bflag:$0x2] =	sbarrier.arrive $0xFFFF  }
0x24: {  	[sflag:s0] =	ssyncadd.tile.s32 @!p0 $0x1;
	_ =	shalt  }
.Lfunc_end2:
_tile_overlayer_lowered:
.L_overlay_start_2:
0x25: {  	(tag) =	ssettag $0x2  }
0x26: {  	s0 =	rddreg [dreg:$0x0];
	s2 =	stileid.u32  }
0x27: {  	s1 =	rddreg [dreg:$0x1];
	p0 =	sne.s32 s2, $0x0  }
0x28: {  	s3 =	rddreg [dreg:$0x2];
	[bflag:$0x3] =	sbarrier.arrive $0xFFFF;
	s2 =	simm.s32 @!p0 $0x1C02  }
0x29: {  	[timem:s3], [sflag:s2] =	dma.local @!p0 [hbm:s0], s1  }
0x2a: {  	s0 =	simm.s32 @!p0 $0x2  }
0x2b: {  	_ =	swait.ge @!p0 [sflag:s0], s1  }
0x2c: {  	s1 =	ssub.s32 @!p0 $0x0, s1;
	[sflag:s0] =	ssyncset.done @!p0 $0x0  }
0x2d: {  	[sflag:s0] =	ssyncadd.s32 @!p0 s1  }
0x2e: {  	[bflag:$0x3] =	sbarrier.arrive $0xFFFF  }
0x2f: {  	_ =	shalt  }

</sc_bundles>
